<compile_context>
chip_gen: v7x
topology: tpu7x:2x2x1
jax: 0.10.2.dev20260603
libtpu: 0.0.44.dev20260713+nightly
codegen_flags: <defaults>
</compile_context>

<pallas_src>
import functools

import jax
import jax.numpy as jnp
from jax import lax
from jax.experimental import pallas as pl
from jax.experimental.pallas import tpu as pltpu
from jax.experimental.pallas import tpu_sc as plsc

N_CTX = 8192
N_STATE = 1024


_ROWS_PER_BLOCK = 2048


def _normalize_body(emb_ref, out_ref):
    x = emb_ref[...]
    norm = jnp.sqrt(jnp.sum(x * x, axis=-1, keepdims=True))
    out_ref[...] = x * (1.0 / jnp.maximum(norm, 1e-12))


def _normalize_table(table):
    n_rows, d = table.shape
    grid = (n_rows // _ROWS_PER_BLOCK,)
    return pl.pallas_call(
        _normalize_body,
        grid=grid,
        in_specs=[pl.BlockSpec((_ROWS_PER_BLOCK, d), lambda i: (i, 0))],
        out_specs=pl.BlockSpec((_ROWS_PER_BLOCK, d), lambda i: (i, 0)),
        out_shape=jax.ShapeDtypeStruct((n_rows, d), table.dtype),
    )(table)



_NC = 2
_NS = 16
_NW = _NC * _NS

_CA = 64
_CB = 56
_PAIR = _CA + _CB


def _make_gather(B, D):
    b_per_w = B // _NW
    n_pairs = (b_per_w - _CA) // _PAIR
    assert b_per_w == n_pairs * _PAIR + _CA
    mesh = plsc.VectorSubcoreMesh(core_axis_name="c", subcore_axis_name="s")

    @functools.partial(
        pl.kernel,
        mesh=mesh,
        out_type=jax.ShapeDtypeStruct((B, D), jnp.float32),
        scratch_types=[
            pltpu.VMEM((b_per_w,), jnp.int32),
            pltpu.VMEM((_CA, D), jnp.float32),
            pltpu.VMEM((_CB, D), jnp.float32),
            pltpu.SemaphoreType.DMA,
            pltpu.SemaphoreType.DMA,
        ],
    )
    def gather(table_hbm, idx_hbm, out_hbm, idx_v, buf_a, buf_b, sem_a, sem_b):
        wid = lax.axis_index("s") * _NC + lax.axis_index("c")
        base = wid * b_per_w
        pltpu.sync_copy(idx_hbm.at[pl.ds(base, b_per_w)], idx_v)

        def fire_a(start):
            pltpu.async_copy(
                table_hbm.at[idx_v.at[pl.ds(start, _CA)]], buf_a, sem_a)

        def fire_b(start):
            pltpu.async_copy(
                table_hbm.at[idx_v.at[pl.ds(start, _CB)]], buf_b, sem_b)

        def wait_a():
            pltpu.make_async_copy(
                table_hbm.at[pl.ds(0, _CA)], buf_a, sem_a).wait()

        def wait_b():
            pltpu.make_async_copy(
                table_hbm.at[pl.ds(0, _CB)], buf_b, sem_b).wait()

        fire_a(0)

        def body(m, _):
            st = pl.multiple_of(m * _PAIR, 8)
            fire_b(st + _CA)
            wait_a()
            pltpu.sync_copy(
                buf_a, out_hbm.at[pl.ds(base + st, _CA)])
            fire_a(st + _PAIR)
            wait_b()
            pltpu.sync_copy(
                buf_b, out_hbm.at[pl.ds(base + st + _CA, _CB)])
            return 0

        lax.fori_loop(0, n_pairs, body, 0)

        wait_a()
        pltpu.sync_copy(
            buf_a, out_hbm.at[pl.ds(base + n_pairs * _PAIR, _CA)])

    return gather




def kernel(positions, positional_embeddings):
    bsz, seq = positions.shape
    n_rows, d = positional_embeddings.shape
    normed = _normalize_table(positional_embeddings)
    idx = positions.reshape(-1).astype(jnp.int32)
    out = _make_gather(bsz * seq, d)(normed, idx)
    return out.reshape(bsz, seq, d)

# --- scband reference (transcript-rebuilt; emitter-appended) ---
"""Pipeline reference for scband-learned-sinusoidal-embeddings-67611375174017 (READ-ONLY COPY).

The authoritative reference and input builder live on the scoring server;
editing this copy changes nothing except your own understanding.
"""

import jax, jax.numpy as jnp
import numpy as np
import math

N_CTX = 8192
N_STATE = 1024

def _build_sinusoidal(n_ctx, n_state):
    position = np.arange(0, n_ctx, dtype=np.float32)[:, None]
    div_term = np.exp(np.arange(0, n_state, 2, dtype=np.float32) * -(math.log(10000.0) / n_state))
    features = np.zeros((n_ctx, n_state), dtype=np.float32)
    features[:, 0::2] = np.sin(position * div_term)
    features[:, 1::2] = np.cos(position * div_term)
    return jnp.asarray(features)

def setup_inputs(seed: int = 0) -> dict:
    key = jax.random.key(seed)
    positions = jax.random.randint(key, (4, 8192), 0, N_CTX, dtype=jnp.int64 if jax.config.jax_enable_x64 else jnp.int32)
    # Learned parameter initialized to sinusoidal features (as in the torch module)
    positional_embeddings = _build_sinusoidal(N_CTX, N_STATE)
    return {"positions": positions, "positional_embeddings": positional_embeddings}

def reference(positions, positional_embeddings):
    # gather: positional_embeddings[positions] -> [B, S, n_state]
    emb = jnp.take(positional_embeddings, positions, axis=0)
    # torch F.normalize(p=2, dim=-1): x / max(||x||_2, eps), eps=1e-12
    norm = jnp.sqrt(jnp.sum(emb * emb, axis=-1, keepdims=True))
    emb = emb / jnp.maximum(norm, 1e-12)
    return emb

if __name__ == "__main__":
    import jax
    _d = setup_inputs()
    print(jax.jit(kernel)(*tuple(_d.values())))

</pallas_src>

<mosaic_0001>
#map = affine_map<(d0, d1) -> (0, 0)>
#map1 = affine_map<(d0, d1) -> (0)>
module attributes {stable_mosaic.version = 14 : i64} {
  func.func @gather(%arg0: i32, %arg1: i32, %arg2: memref<8192x1024xf32, #tpu.memory_space<hbm>>, %arg3: memref<32768xi32, #tpu.memory_space<hbm>>, %arg4: memref<32768x1024xf32, #tpu.memory_space<hbm>>, %arg5: memref<1024xi32, #tpu.memory_space<vmem>>, %arg6: memref<64x1024xf32, #tpu.memory_space<vmem>>, %arg7: memref<56x1024xf32, #tpu.memory_space<vmem>>, %arg8: memref<!tpu.dma_semaphore, #tpu.memory_space<semaphore_mem>>, %arg9: memref<!tpu.dma_semaphore, #tpu.memory_space<semaphore_mem>>) attributes {dimension_semantics = [#tpu.dimension_semantics<core_parallel>, #tpu.dimension_semantics<subcore_parallel>], iteration_bounds = array<i64: 2, 16>, scalar_prefetch = 0 : i64, scratch_operands = 5 : i64, tpu.core_type = #tpu.core_type<sc_vector_subcore>, window_params = [{transform_indices = #map}, {transform_indices = #map1}, {transform_indices = #map}]} {
    %mul3A = arith.constant 2 : i32
    %mul3A_0 = arith.muli %arg1, %mul3A : i32
    %add3A = arith.addi %mul3A_0, %arg0 : i32
    %mul3A_1 = arith.constant 1024 : i32
    %mul3A_2 = arith.muli %add3A, %mul3A_1 : i32
    "tpu.region"() ({
      %run_scoped3A = tpu.sem_alloc : memref<!tpu.dma_semaphore, #tpu.memory_space<semaphore_mem>>
      %dma_start3A_20 = tpu.memref_slice %arg3[%mul3A_2] : memref<32768xi32, #tpu.memory_space<hbm>> -> memref<1024xi32, #tpu.memory_space<hbm>>
      %dma_start3A_21 = tpu.memref_slice %arg3[%mul3A_2] : memref<32768xi32, #tpu.memory_space<hbm>> -> memref<1024xi32, #tpu.memory_space<hbm>>
      tpu.enqueue_dma source(%dma_start3A_21 : memref<1024xi32, #tpu.memory_space<hbm>>) target(%arg5 : memref<1024xi32, #tpu.memory_space<vmem>>) target_semaphore(%run_scoped3A : memref<!tpu.dma_semaphore, #tpu.memory_space<semaphore_mem>>)
      %dma_wait3A_22 = tpu.memref_slice %arg3[%mul3A_2] : memref<32768xi32, #tpu.memory_space<hbm>> -> memref<1024xi32, #tpu.memory_space<hbm>>
      %dma_wait3A_23 = tpu.memref_slice %arg3[%mul3A_2] : memref<32768xi32, #tpu.memory_space<hbm>> -> memref<1024xi32, #tpu.memory_space<hbm>>
      tpu.wait_dma2 semaphore(%run_scoped3A : memref<!tpu.dma_semaphore, #tpu.memory_space<semaphore_mem>>) src(%dma_wait3A_23 : memref<1024xi32, #tpu.memory_space<hbm>>) dst(%arg5 : memref<1024xi32, #tpu.memory_space<vmem>>)
      tpu.yield
    }) : () -> ()
    %dma_start3A = arith.constant 0 : i32
    %dma_start3A_3 = tpu.memref_slice %arg5[%dma_start3A] : memref<1024xi32, #tpu.memory_space<vmem>> -> memref<64xi32, #tpu.memory_space<vmem>>
    %dma_start3A_4 = arith.constant 0 : i32
    %dma_start3A_5 = arith.constant 0 : i32
    %dma_start3A_6 = tpu.memref_slice %arg2[%dma_start3A_4, %dma_start3A_5] : memref<8192x1024xf32, #tpu.memory_space<hbm>> -> memref<8192x1024xf32, #tpu.memory_space<hbm>>
    tpu.enqueue_indirect_dma source(%dma_start3A_6 : memref<8192x1024xf32, #tpu.memory_space<hbm>>) target(%arg6 : memref<64x1024xf32, #tpu.memory_space<vmem>>) offsets(%dma_start3A_3 : memref<64xi32, #tpu.memory_space<vmem>>) semaphore(%arg8 : memref<!tpu.dma_semaphore, #tpu.memory_space<semaphore_mem>>)
    %scan3A = arith.constant 0 : i32
    %scan3A_7 = arith.constant 0 : i32
    %scan3A_8 = arith.constant 8 : i32
    %scan3A_9 = arith.addi %scan3A_7, %scan3A_8 : i32
    %scan3A_10 = arith.constant 1 : i32
    %scan3A_11 = scf.for %scan3A_20 = %scan3A_7 to %scan3A_9 step %scan3A_10 iter_args(%scan3A_21 = %scan3A) -> (i32)  : i32 {
      %mul3A_22 = arith.constant 120 : i32
      %mul3A_23 = arith.muli %scan3A_20, %mul3A_22 : i32
      %multiple_of3A = tpu.assume_multiple %mul3A_23, 8 : i32
      %add3A_24 = arith.constant 64 : i32
      %add3A_25 = arith.addi %multiple_of3A, %add3A_24 : i32
      %dma_start3A_26 = tpu.memref_slice %arg5[%add3A_25] : memref<1024xi32, #tpu.memory_space<vmem>> -> memref<56xi32, #tpu.memory_space<vmem>>
      %dma_start3A_27 = arith.constant 0 : i32
      %dma_start3A_28 = arith.constant 0 : i32
      %dma_start3A_29 = tpu.memref_slice %arg2[%dma_start3A_27, %dma_start3A_28] : memref<8192x1024xf32, #tpu.memory_space<hbm>> -> memref<8192x1024xf32, #tpu.memory_space<hbm>>
      tpu.enqueue_indirect_dma source(%dma_start3A_29 : memref<8192x1024xf32, #tpu.memory_space<hbm>>) target(%arg7 : memref<56x1024xf32, #tpu.memory_space<vmem>>) offsets(%dma_start3A_26 : memref<56xi32, #tpu.memory_space<vmem>>) semaphore(%arg9 : memref<!tpu.dma_semaphore, #tpu.memory_space<semaphore_mem>>)
      %dma_wait3A_30 = arith.constant 0 : i32
      %dma_wait3A_31 = arith.constant 0 : i32
      %dma_wait3A_32 = tpu.memref_slice %arg2[%dma_wait3A_30, %dma_wait3A_31] : memref<8192x1024xf32, #tpu.memory_space<hbm>> -> memref<64x1024xf32, #tpu.memory_space<hbm>>
      %dma_wait3A_33 = arith.constant 0 : i32
      %dma_wait3A_34 = arith.constant 0 : i32
      %dma_wait3A_35 = tpu.memref_slice %arg2[%dma_wait3A_33, %dma_wait3A_34] : memref<8192x1024xf32, #tpu.memory_space<hbm>> -> memref<64x1024xf32, #tpu.memory_space<hbm>>
      tpu.wait_dma2 semaphore(%arg8 : memref<!tpu.dma_semaphore, #tpu.memory_space<semaphore_mem>>) src(%dma_wait3A_35 : memref<64x1024xf32, #tpu.memory_space<hbm>>) dst(%arg6 : memref<64x1024xf32, #tpu.memory_space<vmem>>)
      %add3A_36 = arith.addi %mul3A_2, %multiple_of3A : i32
      "tpu.region"() ({
        %run_scoped3A = tpu.sem_alloc : memref<!tpu.dma_semaphore, #tpu.memory_space<semaphore_mem>>
        %dma_start3A_53 = arith.constant 0 : i32
        %dma_start3A_54 = tpu.memref_slice %arg4[%add3A_36, %dma_start3A_53] : memref<32768x1024xf32, #tpu.memory_space<hbm>> -> memref<64x1024xf32, #tpu.memory_space<hbm>>
        %dma_start3A_55 = arith.constant 0 : i32
        %dma_start3A_56 = tpu.memref_slice %arg4[%add3A_36, %dma_start3A_55] : memref<32768x1024xf32, #tpu.memory_space<hbm>> -> memref<64x1024xf32, #tpu.memory_space<hbm>>
        tpu.enqueue_dma source(%arg6 : memref<64x1024xf32, #tpu.memory_space<vmem>>) target(%dma_start3A_56 : memref<64x1024xf32, #tpu.memory_space<hbm>>) target_semaphore(%run_scoped3A : memref<!tpu.dma_semaphore, #tpu.memory_space<semaphore_mem>>)
        %dma_wait3A_57 = arith.constant 0 : i32
        %dma_wait3A_58 = tpu.memref_slice %arg4[%add3A_36, %dma_wait3A_57] : memref<32768x1024xf32, #tpu.memory_space<hbm>> -> memref<64x1024xf32, #tpu.memory_space<hbm>>
        %dma_wait3A_59 = arith.constant 0 : i32
        %dma_wait3A_60 = tpu.memref_slice %arg4[%add3A_36, %dma_wait3A_59] : memref<32768x1024xf32, #tpu.memory_space<hbm>> -> memref<64x1024xf32, #tpu.memory_space<hbm>>
        tpu.wait_dma2 semaphore(%run_scoped3A : memref<!tpu.dma_semaphore, #tpu.memory_space<semaphore_mem>>) src(%arg6 : memref<64x1024xf32, #tpu.memory_space<vmem>>) dst(%dma_wait3A_60 : memref<64x1024xf32, #tpu.memory_space<hbm>>)
        tpu.yield
      }) : () -> ()
      %add3A_37 = arith.constant 120 : i32
      %add3A_38 = arith.addi %multiple_of3A, %add3A_37 : i32
      %dma_start3A_39 = tpu.memref_slice %arg5[%add3A_38] : memref<1024xi32, #tpu.memory_space<vmem>> -> memref<64xi32, #tpu.memory_space<vmem>>
      %dma_start3A_40 = arith.constant 0 : i32
      %dma_start3A_41 = arith.constant 0 : i32
      %dma_start3A_42 = tpu.memref_slice %arg2[%dma_start3A_40, %dma_start3A_41] : memref<8192x1024xf32, #tpu.memory_space<hbm>> -> memref<8192x1024xf32, #tpu.memory_space<hbm>>
      tpu.enqueue_indirect_dma source(%dma_start3A_42 : memref<8192x1024xf32, #tpu.memory_space<hbm>>) target(%arg6 : memref<64x1024xf32, #tpu.memory_space<vmem>>) offsets(%dma_start3A_39 : memref<64xi32, #tpu.memory_space<vmem>>) semaphore(%arg8 : memref<!tpu.dma_semaphore, #tpu.memory_space<semaphore_mem>>)
      %dma_wait3A_43 = arith.constant 0 : i32
      %dma_wait3A_44 = arith.constant 0 : i32
      %dma_wait3A_45 = tpu.memref_slice %arg2[%dma_wait3A_43, %dma_wait3A_44] : memref<8192x1024xf32, #tpu.memory_space<hbm>> -> memref<56x1024xf32, #tpu.memory_space<hbm>>
      %dma_wait3A_46 = arith.constant 0 : i32
      %dma_wait3A_47 = arith.constant 0 : i32
      %dma_wait3A_48 = tpu.memref_slice %arg2[%dma_wait3A_46, %dma_wait3A_47] : memref<8192x1024xf32, #tpu.memory_space<hbm>> -> memref<56x1024xf32, #tpu.memory_space<hbm>>
      tpu.wait_dma2 semaphore(%arg9 : memref<!tpu.dma_semaphore, #tpu.memory_space<semaphore_mem>>) src(%dma_wait3A_48 : memref<56x1024xf32, #tpu.memory_space<hbm>>) dst(%arg7 : memref<56x1024xf32, #tpu.memory_space<vmem>>)
      %add3A_49 = arith.addi %mul3A_2, %multiple_of3A : i32
      %add3A_50 = arith.constant 64 : i32
      %add3A_51 = arith.addi %add3A_49, %add3A_50 : i32
      "tpu.region"() ({
        %run_scoped3A = tpu.sem_alloc : memref<!tpu.dma_semaphore, #tpu.memory_space<semaphore_mem>>
        %dma_start3A_53 = arith.constant 0 : i32
        %dma_start3A_54 = tpu.memref_slice %arg4[%add3A_51, %dma_start3A_53] : memref<32768x1024xf32, #tpu.memory_space<hbm>> -> memref<56x1024xf32, #tpu.memory_space<hbm>>
        %dma_start3A_55 = arith.constant 0 : i32
        %dma_start3A_56 = tpu.memref_slice %arg4[%add3A_51, %dma_start3A_55] : memref<32768x1024xf32, #tpu.memory_space<hbm>> -> memref<56x1024xf32, #tpu.memory_space<hbm>>
        tpu.enqueue_dma source(%arg7 : memref<56x1024xf32, #tpu.memory_space<vmem>>) target(%dma_start3A_56 : memref<56x1024xf32, #tpu.memory_space<hbm>>) target_semaphore(%run_scoped3A : memref<!tpu.dma_semaphore, #tpu.memory_space<semaphore_mem>>)
        %dma_wait3A_57 = arith.constant 0 : i32
        %dma_wait3A_58 = tpu.memref_slice %arg4[%add3A_51, %dma_wait3A_57] : memref<32768x1024xf32, #tpu.memory_space<hbm>> -> memref<56x1024xf32, #tpu.memory_space<hbm>>
        %dma_wait3A_59 = arith.constant 0 : i32
        %dma_wait3A_60 = tpu.memref_slice %arg4[%add3A_51, %dma_wait3A_59] : memref<32768x1024xf32, #tpu.memory_space<hbm>> -> memref<56x1024xf32, #tpu.memory_space<hbm>>
        tpu.wait_dma2 semaphore(%run_scoped3A : memref<!tpu.dma_semaphore, #tpu.memory_space<semaphore_mem>>) src(%arg7 : memref<56x1024xf32, #tpu.memory_space<vmem>>) dst(%dma_wait3A_60 : memref<56x1024xf32, #tpu.memory_space<hbm>>)
        tpu.yield
      }) : () -> ()
      %scan3A_52 = arith.constant 0 : i32
      scf.yield %scan3A_52 : i32
    }
    %scan3A_12 = arith.constant 8 : i32
    %dma_wait3A = arith.constant 0 : i32
    %dma_wait3A_13 = arith.constant 0 : i32
    %dma_wait3A_14 = tpu.memref_slice %arg2[%dma_wait3A, %dma_wait3A_13] : memref<8192x1024xf32, #tpu.memory_space<hbm>> -> memref<64x1024xf32, #tpu.memory_space<hbm>>
    %dma_wait3A_15 = arith.constant 0 : i32
    %dma_wait3A_16 = arith.constant 0 : i32
    %dma_wait3A_17 = tpu.memref_slice %arg2[%dma_wait3A_15, %dma_wait3A_16] : memref<8192x1024xf32, #tpu.memory_space<hbm>> -> memref<64x1024xf32, #tpu.memory_space<hbm>>
    tpu.wait_dma2 semaphore(%arg8 : memref<!tpu.dma_semaphore, #tpu.memory_space<semaphore_mem>>) src(%dma_wait3A_17 : memref<64x1024xf32, #tpu.memory_space<hbm>>) dst(%arg6 : memref<64x1024xf32, #tpu.memory_space<vmem>>)
    %add3A_18 = arith.constant 960 : i32
    %add3A_19 = arith.addi %mul3A_2, %add3A_18 : i32
    "tpu.region"() ({
      %run_scoped3A = tpu.sem_alloc : memref<!tpu.dma_semaphore, #tpu.memory_space<semaphore_mem>>
      %dma_start3A_20 = arith.constant 0 : i32
      %dma_start3A_21 = tpu.memref_slice %arg4[%add3A_19, %dma_start3A_20] : memref<32768x1024xf32, #tpu.memory_space<hbm>> -> memref<64x1024xf32, #tpu.memory_space<hbm>>
      %dma_start3A_22 = arith.constant 0 : i32
      %dma_start3A_23 = tpu.memref_slice %arg4[%add3A_19, %dma_start3A_22] : memref<32768x1024xf32, #tpu.memory_space<hbm>> -> memref<64x1024xf32, #tpu.memory_space<hbm>>
      tpu.enqueue_dma source(%arg6 : memref<64x1024xf32, #tpu.memory_space<vmem>>) target(%dma_start3A_23 : memref<64x1024xf32, #tpu.memory_space<hbm>>) target_semaphore(%run_scoped3A : memref<!tpu.dma_semaphore, #tpu.memory_space<semaphore_mem>>)
      %dma_wait3A_24 = arith.constant 0 : i32
      %dma_wait3A_25 = tpu.memref_slice %arg4[%add3A_19, %dma_wait3A_24] : memref<32768x1024xf32, #tpu.memory_space<hbm>> -> memref<64x1024xf32, #tpu.memory_space<hbm>>
      %dma_wait3A_26 = arith.constant 0 : i32
      %dma_wait3A_27 = tpu.memref_slice %arg4[%add3A_19, %dma_wait3A_26] : memref<32768x1024xf32, #tpu.memory_space<hbm>> -> memref<64x1024xf32, #tpu.memory_space<hbm>>
      tpu.wait_dma2 semaphore(%run_scoped3A : memref<!tpu.dma_semaphore, #tpu.memory_space<semaphore_mem>>) src(%arg6 : memref<64x1024xf32, #tpu.memory_space<vmem>>) dst(%dma_wait3A_27 : memref<64x1024xf32, #tpu.memory_space<hbm>>)
      tpu.yield
    }) : () -> ()
    return
  }
}

module attributes {stable_mosaic.version = 14 : i64} {
  func.func @_normalize_body(%arg0: i32, %arg1: memref<2048x1024xf32, #tpu.memory_space<vmem>>, %arg2: memref<2048x1024xf32, #tpu.memory_space<vmem>>) attributes {dimension_semantics = [#tpu.dimension_semantics<arbitrary>], iteration_bounds = array<i64: 4>, scalar_prefetch = 0 : i64, scratch_operands = 0 : i64, tpu.core_type = #tpu.core_type<tc>, window_params = [{transform_indices = @transform_0, window_bounds = array<i64: 2048, 1024>}, {transform_indices = @transform_1, window_bounds = array<i64: 2048, 1024>}]} {
    %get3A = arith.constant 0 : index
    %get3A_0 = arith.constant 0 : index
    %get3A_1 = vector.load %arg1[%get3A, %get3A_0] : memref<2048x1024xf32, #tpu.memory_space<vmem>>, vector<2048x1024xf32>
    %mul3A = arith.mulf %get3A_1, %get3A_1 : vector<2048x1024xf32>
    %reduce_sum3A = arith.constant dense<0.000000e+00> : vector<2048xf32>
    %reduce_sum3A_2 = vector.multi_reduction <add>, %mul3A, %reduce_sum3A [1] : vector<2048x1024xf32> to vector<2048xf32>
    %broadcast_in_dim3A = vector.shape_cast %reduce_sum3A_2 : vector<2048xf32> to vector<2048x1xf32>
    %sqrt3A = math.sqrt %broadcast_in_dim3A : vector<2048x1xf32>
    %max3A = arith.constant 9.99999996E-13 : f32
    %max3A_3 = vector.broadcast %max3A : f32 to vector<2048x1xf32>
    %max3A_4 = arith.maximumf %sqrt3A, %max3A_3 : vector<2048x1xf32>
    %div3A = arith.constant 1.000000e+00 : f32
    %div3A_5 = vector.broadcast %div3A : f32 to vector<2048x1xf32>
    %div3A_6 = arith.divf %div3A_5, %max3A_4 : vector<2048x1xf32>
    %mul3A_7 = vector.broadcast %div3A_6 : vector<2048x1xf32> to vector<2048x1024xf32>
    %mul3A_8 = arith.mulf %get3A_1, %mul3A_7 : vector<2048x1024xf32>
    %swap3A = arith.constant 0 : index
    %swap3A_9 = arith.constant 0 : index
    %swap3A_10 = vector.load %arg2[%swap3A, %swap3A_9] : memref<2048x1024xf32, #tpu.memory_space<vmem>>, vector<2048x1024xf32>
    tpu.vector_store %arg2[%swap3A, %swap3A_9], %mul3A_8 {strides = array<i32>} : memref<2048x1024xf32, #tpu.memory_space<vmem>>, vector<2048x1024xf32>,
    return
  }
  func.func @transform_0(%arg0: i32) -> (i32, i32) {
    %c0_i32 = arith.constant 0 : i32
    %c0_i32_0 = arith.constant 0 : i32
    return %arg0, %c0_i32 : i32, i32
  }
  func.func @transform_1(%arg0: i32) -> (i32, i32) {
    %c0_i32 = arith.constant 0 : i32
    %c0_i32_0 = arith.constant 0 : i32
    return %arg0, %c0_i32 : i32, i32
  }
}

</mosaic_0001>

<sc_bundles>
// kernel: kernel.4.cloned.1.call-start
scs
__scs_entry_jumppad:
0x0: {  	(pc) =	sbr.rel $0x88, $3  }
0x1: {  	(tag) =	ssettag $0x0;
	lr =	simm.s32 $0x1  }
0x2: {  	[smem:$0x3F9F] =	sst lr;
	_ =	strace $0xD0000000  }
0x3: {  	_ = 	snop  }
0x4: {  	_ = 	snop  }
0x5: {  	_ = 	snop  }
0x6: {  	_ = 	snop  }
0x7: {  	_ = 	snop  }
__scs_overlays_trampoline_lowered:
0x8: {  	[smem:$0x3FAE] =	sst s0  }
0x9: {  	[smem:$0x3FAF] =	sst s1  }
0xa: {  	[smem:$0x3FB0] =	sst s2  }
0xb: {  	[smem:$0x3FB1] =	sst s3  }
0xc: {  	[smem:$0x3FB2] =	sst s4  }
0xd: {  	[smem:$0x3FB3] =	sst s5  }
0xe: {  	[smem:$0x3FB4] =	sst s6  }
0xf: {  	[smem:$0x3FB5] =	sst s7  }
0x10: {  	[smem:$0x3FB6] =	sst s8  }
0x11: {  	[smem:$0x3FB7] =	sst s9;
	s0 =	simm.s32 @!p0 $0x0  }
0x12: {  	s1 =	sld [smem:$0x3F9D];
	s0 =	simm.s32 @p0 $0x1  }
0x13: {  	[smem:$0x3FB8] =	sst s0;
	s0 =	simm.s32 @!p1 $0x0  }
0x14: {  	s2 =	sld [smem:$0x3F9C];
	s0 =	simm.s32 @p1 $0x1  }
0x15: {  	[smem:$0x3FB9] =	sst s0;
	s0 =	simm.s32 @!p2 $0x0  }
0x16: {  	s3 =	sld [smem:$0x3FDB];
	s0 =	simm.s32 @p2 $0x1  }
0x17: {  	s4 =	simm.s32 $0x1BF5;
	[smem:$0x3FBB] =	sst s0  }
0x18: {  	s0 =	sld [smem:$0x3F9E];
	_ =	swait.ge [sflag:s4], $0x0  }
0x19: {  	s7 =	sld [smem:$0x3F9F]  }
0x1a: {  	s8 =	sadd.s32 $0xFFFFE003, lr  }
0x1b: {  	s9 =	sadd.s32 $0xFFFFFEF7, lr;
	s5 =	simm.s32 $0xFFFFFFFF;
	p2 =	slt.u32 s8, $0xFFFFF086  }
0x1c: {  	p1 =	slt.u32 s9, $0xF7A;
	s5 =	simm.s32 @!p2 $0x0  }
0x1d: {  	s5 =	simm.s32 @p1 $0x1;
	p0 =	seq.s32 s7, s2  }
0x1e: {  	s7 =	smul.u32 @!p0 $0xF7A, s2;
	p2 =	seq.s32 @!p0 s5, $0x0  }
0x1f: {  	s9 =	smul.u32 $0xF7A, s1;
	s8 =	simm.s32 @!p0 $0x1BF5;
	p2 =	por !p2, p0  }
0x20: {  	[sflag:s8] =	ssyncset.s32 @!p0 $0xFFFFF086;
	s6 =	sadd.s32 @!p0 s3, s7;
	s7 =	simm.s32 @!p0 $0x108  }
0x21: {  	s3 =	sadd.s32 s3, s9;
	s6 =	sadd.s32 @!p0 $0x88, s6;
	s7 =	simm.s32 @p2 $0x1082  }
0x22: {  	[simem:s7], [sflag:s8] =	dma.local @!p0 [hbm:s6], $0xF7A  }
0x23: {  	s9 =	sor.u32 $0xD0000000, s2;
	s6 =	simm.s32 $0x108;
	_ =	swait.ge @!p0 [sflag:s8], $0x0  }
0x24: {  	s3 =	sadd.s32 $0x88, s3;
	s6 =	simm.s32 @!p1 $0x1082;
	[sflag:s4] =	ssyncset.s32 $0xFFFFF086  }
0x25: {  	[simem:s6], [sflag:s4] =	dma.local [hbm:s3], $0xF7A  }
0x26: {  	[smem:$0x3F9F] =	sst s1;
	(tag) =	ssettag s2;
	_ =	strace s9  }
0x27: {  	s1 =	sld [smem:$0x3FAF]  }
0x28: {  	s2 =	sld [smem:$0x3FB0]  }
0x29: {  	s4 =	sld [smem:$0x3FB2]  }
0x2a: {  	p0 =	seq.s32 s5, $0x0;
	s5 =	sld [smem:$0x3FB3]  }
0x2b: {  	s6 =	sld [smem:$0x3FB4]  }
0x2c: {  	s7 =	sld [smem:$0x3FB5]  }
0x2d: {  	s3 =	simm.s32 $0x108;
	s8 =	sld [smem:$0x3FB6]  }
0x2e: {  	s3 =	simm.s32 @!p0 $0x1082;
	s9 =	sld [smem:$0x3FB7]  }
0x2f: {  	lr =	sadd.s32 s0, s3;
	s0 =	sld [smem:$0x3FAE]  }
0x30: {  	s3 =	sld [smem:$0x3FB1]  }
0x31: {  	[smem:$0x3FBA] =	sst s10  }
0x32: {  	s10 =	sld [smem:$0x3FB8];
	_ =	sdelay $0x3  }
0x33: {  	p0 =	seq.s32 s10, $0x1;
	s10 =	sld [smem:$0x3FBA];
	_ =	sdelay $0x3  }
0x34: {  	[smem:$0x3FBA] =	sst s10  }
0x35: {  	s10 =	sld [smem:$0x3FB9];
	_ =	sdelay $0x3  }
0x36: {  	p1 =	seq.s32 s10, $0x1;
	s10 =	sld [smem:$0x3FBA];
	_ =	sdelay $0x3  }
0x37: {  	[smem:$0x3FBA] =	sst s10  }
0x38: {  	s10 =	sld [smem:$0x3FBB]  }
0x39: {  	_ = 	snop;
	(pc) =	sbr.ind lr, $3  }
0x3a: {  	_ = 	snop  }
0x3b: {  	_ = 	snop  }
0x3c: {  	p2 =	seq.s32 s10, $0x1;
	s10 =	sld [smem:$0x3FBA]  }
0x3d: {  	_ =	shalt  }
0x3e: {  	_ =	shalt  }
0x3f: {  	_ =	shalt  }
0x40: {  	_ =	shalt  }
0x41: {  	_ =	shalt  }
0x42: {  	_ =	shalt  }
0x43: {  	_ =	shalt  }
0x44: {  	_ =	shalt  }
0x45: {  	_ =	shalt  }
0x46: {  	_ =	shalt  }
0x47: {  	_ =	shalt  }
0x48: {  	_ =	shalt  }
0x49: {  	_ =	shalt  }
0x4a: {  	_ =	shalt  }
0x4b: {  	_ =	shalt  }
0x4c: {  	_ =	shalt  }
0x4d: {  	_ =	shalt  }
0x4e: {  	_ =	shalt  }
0x4f: {  	_ =	shalt  }
0x50: {  	_ =	shalt  }
0x51: {  	_ =	shalt  }
0x52: {  	_ =	shalt  }
0x53: {  	_ =	shalt  }
0x54: {  	_ =	shalt  }
0x55: {  	_ =	shalt  }
0x56: {  	_ =	shalt  }
0x57: {  	_ =	shalt  }
0x58: {  	_ =	shalt  }
0x59: {  	_ =	shalt  }
0x5a: {  	_ =	shalt  }
0x5b: {  	_ =	shalt  }
0x5c: {  	_ =	shalt  }
0x5d: {  	_ =	shalt  }
0x5e: {  	_ =	shalt  }
0x5f: {  	_ =	shalt  }
0x60: {  	_ =	shalt  }
0x61: {  	_ =	shalt  }
0x62: {  	_ =	shalt  }
0x63: {  	_ =	shalt  }
0x64: {  	_ =	shalt  }
0x65: {  	_ =	shalt  }
0x66: {  	_ =	shalt  }
0x67: {  	_ =	shalt  }
0x68: {  	_ =	shalt  }
0x69: {  	_ =	shalt  }
0x6a: {  	_ =	shalt  }
0x6b: {  	_ =	shalt  }
0x6c: {  	_ =	shalt  }
0x6d: {  	_ =	shalt  }
0x6e: {  	_ =	shalt  }
0x6f: {  	_ =	shalt  }
0x70: {  	_ =	shalt  }
0x71: {  	_ =	shalt  }
0x72: {  	_ =	shalt  }
0x73: {  	_ =	shalt  }
0x74: {  	_ =	shalt  }
0x75: {  	_ =	shalt  }
0x76: {  	_ =	shalt  }
0x77: {  	_ =	shalt  }
0x78: {  	_ =	shalt  }
0x79: {  	_ =	shalt  }
0x7a: {  	_ =	shalt  }
0x7b: {  	_ =	shalt  }
0x7c: {  	_ =	shalt  }
0x7d: {  	_ =	shalt  }
0x7e: {  	_ =	shalt  }
0x7f: {  	_ =	shalt  }
0x80: {  	_ =	shalt  }
0x81: {  	_ =	shalt  }
0x82: {  	_ =	shalt  }
0x83: {  	_ =	shalt  }
0x84: {  	_ =	shalt  }
0x85: {  	_ =	shalt  }
0x86: {  	_ =	shalt  }
0x87: {  	_ =	shalt  }
.Lfunc_end0:
.L_simem_size_0:
called_computation_lowered:
.L_overlay_start_0:
0x88: {  	s2 =	sld [smem:$0x3FD9]  }
0x89: {  	s3 =	sld [smem:$0x3FFE];
	_ =	sdelay $0x1  }
0x8a: {  	s1 =	srdreg.scid  }
0x8b: {  	s0 =	sand.u32 $0x1, s1  }
0x8c: {  	s17 =	sshll.u32 s0, $0xA;
	s2 =	sadd.s32 s3, s2  }
0x8d: {  	s2 =	sadd.s32 s2, s17  }
0x8e: {  	[smem:$0x3FC6] =	sst s2  }
0x8f: {  	_ = 	snop  }
0x90: {  	s2 =	sld [smem:$0x3FD0];
	(tm) =	ssettm $0x1  }
0x91: {  	s18 =	sld [smem:$0x3FFB];
	_ =	sdelay $0x3  }
0x92: {  	_ =	strace s18  }
0x93: {  	s3 =	sld [smem:$0x3FFC];
	_ =	sdelay $0x3  }
0x94: {  	_ =	strace s3  }
0x95: {  	s3 =	sld [smem:$0x3FFD];
	_ =	sdelay $0x3  }
0x96: {  	_ =	strace s3  }
0x97: {  	_ =	strace $0x8FFFFFFF  }
0x98: {  	s19 =	sld [smem:$0x3FDB];
	_ =	sdelay $0x1  }
0x99: {  	s4 =	simm.s32 $_scs_section_size  }
0x9a: {  	s5 =	simm.s32 $_size__tile_overlayer_lowered;
	s6 =	simm.s32 $_tile_overlayer_lowered  }
0x9b: {  	s22 =	simm.s32 $0x1BFF;
	s21 =	sshll.u32 s6, $0x1;
	s3 =	sadd.s32 s4, s19  }
0x9c: {  	s7 =	simm.s32 $0x0;
	s20 =	sshll.u32 s5, $0x1;
	s5 =	sadd.s32 s21, s3  }
0x9d: {  	[timem:s7], [sflag:s22] =	dma.local [hbm:s5], s20  }
0x9e: {  	_ =	swait.ge [sflag:s22], s20  }
0x9f: {  	s4 =	ssub.s32 $0x0, s20;
	[sflag:s22] =	ssyncset.done $0x0  }
0xa0: {  	[sflag:s22] =	ssyncadd.s32 s4;
	_ =	sdelay $0x1  }
0xa1: {  	s23 =	simm.s32 $0x1B8B  }
0xa2: {  	_ =	swait.ge [sflag:s23], $0x1  }
0xa3: {  	[sflag:s23] =	ssyncset.done $0x0  }
0xa4: {  	s25 =	simm.s32 $0x1B8E;
	s24 =	sld [smem:$0x3FFE];
	[sflag:s23] =	ssyncadd.s32 $0xFFFFFFFF  }
0xa5: {  	s26 =	simm.s32 $execute0_lowered;
	[smem:$0x3FD2] =	sst s25  }
0xa6: {  	s5 =	sshll.u32 s26, $0x1;
	_ =	strace $0x80000046;
	[dreg:$0x1] =	wrdreg $0xFFFFFFFF  }
0xa7: {  	s28 =	simm.s32 $_size_execute0_lowered;
	s3 =	sadd.s32 s3, s5;
	[dreg:$0x0] =	wrdreg $0x0  }
0xa8: {  	s5 =	sshll.u32 s28, $0x1;
	[dreg:$0x2] =	wrdreg s3  }
0xa9: {  	[dreg:$0x3] =	wrdreg s5  }
0xaa: {  	[dreg:$0x4] =	wrdreg $0xC0  }
0xab: {  	_ =	task [dreg:s7], $0x5FFFF  }
0xac: {  	[dreg:$0x1] =	wrdreg $0xFFFFFFFF  }
0xad: {  	[dreg:$0x0] =	wrdreg $0x60  }
0xae: {  	[dreg:$0x2] =	wrdreg s24  }
0xaf: {  	[dreg:$0x3] =	wrdreg s2  }
0xb0: {  	[dreg:$0x4] =	wrdreg $0x9  }
0xb1: {  	_ =	task.clear_ibuf [dreg:s7], $0x5FFFF;
	_ =	strace $0x90000046  }
0xb2: {  	s29 =	simm.s32 $0x9;
	_ =	strace $0x80000048  }
0xb3: {  	_ =	swait.ge [sflag:s29], $0x1  }
0xb4: {  	[sflag:s29] =	ssyncadd.s32 $0xFFFFFFFF  }
0xb5: {  	_ =	strace $0x90000048  }
0xb6: {  	_ =	sfence  }
0xb7: {  	s30 =	sld [smem:$0x0];
	_ =	sdelay $0x2  }
0xb8: {  	s31 =	sshll.u32 s1, $0xD;
	s1 =	sshrl.u32 s1, $0x2  }
0xb9: {  	s3 =	sand.u32 $0x4000, s31;
	s1 =	sadd.s32 s1, s30  }
0xba: {  	s0 =	sor.u32 s3, s0;
	s1 =	sshll.u32 s1, $0x11  }
0xbb: {  	s0 =	sor.u32 s1, s0  }
0xbc: {  	s0 =	sadd.s32 $0x8F2B, s0  }
0xbd: {  	[sflag:s0] =	ssyncadd.remote.s32 $0x1  }
0xbe: {  	_ =	sfence.sel $0xFFFF  }
0xbf: {  	[dreg:$0x0] =	wrdreg $0xFFFFFFFF;
	(pc) =	sbr.abs _section_cstart, $3  }
0xc0: {  	[dreg:$0x1] =	wrdreg $0xFFFFFFFF  }
0xc1: {  	_ =	task.clear_ibuf [dreg:s7], $0x2FFFF;
	_ =	strace $0x9FFFFFFF  }
0xc2: {  	(tm) =	ssettm $0x7FFFFFFF  }
0xc3: {  	_ =	shalt  }
tec
execute0_lowered:
.L_overlay_start_1:
0x0: {  	(tag) =	ssettag $0x1  }
0x1: {  	s0 =	rddreg [dreg:$0x0]  }
0x2: {  	s1 =	rddreg [dreg:$0x1];
	s2 =	simm.s32 $0x0  }
0x3: {  	s3 =	srdreg.scid;
	s6 =	stileid.u32;
	s12 =	simm.s32 $0x10C00  }
0x4: {  	s13 =	simm.s32 $0x11400;
	s14 =	simm.s32 $0x11C00;
	[smem:$0x7FF] =	sst s2  }
0x5: {  	s16 =	simm.s32 $0x12400;
	_ =	strace $0x80000047;
	[dreg:$0x4] =	wrdreg s12  }
0x6: {  	s17 =	simm.s32 $0x12C00;
	s18 =	simm.s32 $0x13400;
	[dreg:$0x5] =	wrdreg s13  }
0x7: {  	s19 =	simm.s32 $0x13C00;
	s20 =	simm.s32 $0x14400;
	[dreg:$0x6] =	wrdreg s14  }
0x8: {  	s21 =	simm.s32 $0x14C00;
	s23 =	simm.s32 $0x15400;
	[dreg:$0x7] =	wrdreg s16  }
0x9: {  	s24 =	simm.s32 $0x15C00;
	s25 =	simm.s32 $0x16400;
	[dreg:$0x8] =	wrdreg s17  }
0xa: {  	s28 =	simm.s32 $0x2C00;
	s29 =	simm.s32 $0x3400;
	[dreg:$0x9] =	wrdreg s18  }
0xb: {  	s30 =	simm.s32 $0x3C00;
	s31 =	simm.s32 $0xA400;
	[dreg:$0xa] =	wrdreg s19  }
0xc: {  	s4 =	sand.u32 $0x1, s3;
	s5 =	sshll.u32 s6, $0xB;
	[dreg:$0xb] =	wrdreg s20  }
0xd: {  	s9 =	sshll.u32 s6, $0x12;
	s3 =	sadd.s32 $0x1400, s0;
	[dreg:$0xc] =	wrdreg s21  }
0xe: {  	s10 =	sshll.u32 s4, $0xA;
	s7 =	sadd.s32 s9, s1;
	[dreg:$0xd] =	wrdreg s23  }
0xf: {  	s8 =	sshll.u32 s4, $0x11;
	s4 =	ssub.s32 $0x2, s4;
	[dreg:$0xe] =	wrdreg s24  }
0x10: {  	[dreg:$0xf] =	wrdreg s25;
	s25 =	simm.s32 $0xC00;
	s12 =	simm.s32 $0x18C00  }
0x11: {  	s23 =	simm.s32 $0x1400;
	s13 =	simm.s32 $0x19400;
	[dreg:$0x14] =	wrdreg s12  }
0x12: {  	s24 =	simm.s32 $0x1C00;
	s14 =	simm.s32 $0x19C00;
	[dreg:$0x15] =	wrdreg s13  }
0x13: {  	s16 =	simm.s32 $0x1AC00;
	s17 =	simm.s32 $0x1B400;
	[dreg:$0x16] =	wrdreg s14  }
0x14: {  	s18 =	simm.s32 $0x1BC00;
	s19 =	simm.s32 $0x1C400;
	[dreg:$0x18] =	wrdreg s16  }
0x15: {  	s20 =	simm.s32 $0x1CC00;
	s21 =	simm.s32 $0x1D400;
	[dreg:$0x19] =	wrdreg s17  }
0x16: {  	s9 =	sor.u32 s10, s5;
	s11 =	sadd.s32 s8, s7;
	[dreg:$0x1a] =	wrdreg s18  }
0x17: {  	s15 =	sshrl.u32 s4, $0x1;
	s5 =	sadd.s32 $0x1500, s0;
	[dreg:$0x1b] =	wrdreg s19  }
0x18: {  	s7 =	sadd.s32 $0x1700, s0;
	s10 =	simm.s32 $0x3;
	[dreg:$0x1c] =	wrdreg s20  }
0x19: {  	s8 =	simm.s32 $0x17C00;
	s12 =	simm.s32 $0x6400;
	[dreg:$0x1d] =	wrdreg s21  }
0x1a: {  	s13 =	simm.s32 $0x6C00;
	s14 =	simm.s32 $0x7C00;
	s16 =	simm.s32 $0x8C00  }
0x1b: {  	s17 =	simm.s32 $0x9400;
	s18 =	simm.s32 $0x9C00;
	s19 =	simm.s32 $0x10400  }
0x1c: {  	s20 =	simm.s32 $0x1;
	s21 =	simm.s32 $0x2;
	s6 =	sshrl.u32 s9, $0x3  }
0x1d: {  	[dreg:$0x3] =	wrdreg s11;
	s4 =	ssub.s32 s4, s15;
	s22 =	sshll.u32 s9, $0x7  }
0x1e: {  	s11 =	simm.s32 $0x400;
	[dreg:$0x12] =	wrdreg s8;
	s9 =	simm.s32 $0x18400  }
0x1f: {  	s15 =	simm.s32 $0x1A400;
	s8 =	simm.s32 $0x5400;
	[dreg:$0x13] =	wrdreg s9  }
0x20: {  	s6 =	sadd.s32 s6, s0;
	s26 =	smax.u32 s4, $0x1;
	[dreg:$0x17] =	wrdreg s15  }
0x21: {  	s1 =	sadd.s32 s22, s1;
	s4 =	simm.s32 $0x17400;
	[smem:$0x7FC] =	sst s26  }
0x22: {  	s9 =	simm.s32 $0x5C00;
	s22 =	simm.s32 $0x1DC00;
	[dreg:$0x11] =	wrdreg s4  }
0x23: {  	s15 =	simm.s32 $0x8400;
	s6 =	sadd.s32 $0x400, s6;
	[dreg:$0x1e] =	wrdreg s22  }
0x24: {  	s1 =	sadd.s32 $0x1E000, s1;
	s26 =	simm.s32 $0x2400;
	[dreg:$0x1f] =	wrdreg s6  }
0x25: {  	v2 =	vlaneseq.u32;
	s4 =	simm.s32 $0x4C00;
	s22 =	simm.s32 $0x0;
	[smem:$0x7FB] =	sst s1  }
0x26: {  	vm0 =	vmmov $0xffff;
	v1 =	vshrl.u32 v2, $0x3;
	s6 =	sadd.s32 $0x1600, s0;
	s1 =	simm.s32 $0x16C00;
	[smem:$0x7FD] =	sst s22  }
0x27: {  	v0 =	vand.u32 $0x7, v2;
	v2 =	vor.u32 $0x8, v2;
	v1 =	vmul.u32 $0x8, v1;
	s0 =	simm.s32 $0x7400;
	[dreg:$0x10] =	wrdreg s1;
	s1 =	simm.s32 $0x4400  }
.LBB2_1:
0x28: {  	s22 =	rddreg [dreg:$0x1f]  }
0x29: {  	[tilespmem:s2], [sflag:$0x3] =	stream.linear.gather [hbm4b:s22+s2], $0x400, $0x38;
	[tilespmem:$0x1E400] =	vst v63  }
0x2a: {  	_ =	swait.ge [sflag:s10], $0x400  }
0x2b: {  	[sflag:s10] =	ssyncset.done $0x0  }
0x2c: {  	[sflag:s10] =	ssyncadd.s32 $0xFFFFFC00  }
0x2d: {  	v3 =	vld [tilespmem:$0x0];
	_ =	sdelay $0x4  }
0x2e: {  	v4 =	vshll.u32 v3, $0x3  }
0x2f: {  	v3 =	vand.u32 $0x7, v3;
	v4 =	vand.u32 $0xFFFFFFC0, v4  }
0x30: {  	v3 =	vor.u32 v3, v4  }
0x31: {  	v4 =	vperm.xlane v3, v0;
	_ =	sdelay $0x1  }
0x32: {  	v4 =	vadd.s32 v1, v4;
	_ =	sdelay $0x4  }
0x33: {  	[tilespmem:s11], [sflag:$0x1] =	stream.indirect_vreg.gather [hbm4b:s3+s2], $0x80, v4, vm0, $0xb8;
	[tilespmem:$0x1E400] =	vst v63  }
0x34: {  	v3 =	vperm.xlane v3, v2  }
0x35: {  	[tilespmem:s25], [sflag:$0x1] =	stream.indirect_vreg.gather [hbm4b:s5+s2], $0x80, v4, vm0, $0xb8;
	[tilespmem:$0x1E400] =	vst v63  }
0x36: {  	v3 =	vadd.s32 v1, v3  }
0x37: {  	[tilespmem:s23], [sflag:$0x1] =	stream.indirect_vreg.gather [hbm4b:s6+s2], $0x80, v4, vm0, $0xb8;
	[tilespmem:$0x1E400] =	vst v63  }
0x38: {  	_ = 	snop  }
0x39: {  	[tilespmem:s24], [sflag:$0x1] =	stream.indirect_vreg.gather [hbm4b:s7+s2], $0x80, v4, vm0, $0xb8;
	[tilespmem:$0x1E400] =	vst v63  }
0x3a: {  	_ = 	snop  }
0x3b: {  	[tilespmem:s26], [sflag:$0x1] =	stream.indirect_vreg.gather [hbm4b:s3+s2], $0x80, v3, vm0, $0xb8;
	[tilespmem:$0x1E400] =	vst v63  }
0x3c: {  	_ = 	snop  }
0x3d: {  	[tilespmem:s28], [sflag:$0x1] =	stream.indirect_vreg.gather [hbm4b:s5+s2], $0x80, v3, vm0, $0xb8;
	[tilespmem:$0x1E400] =	vst v63  }
0x3e: {  	_ = 	snop  }
0x3f: {  	[tilespmem:s29], [sflag:$0x1] =	stream.indirect_vreg.gather [hbm4b:s6+s2], $0x80, v3, vm0, $0xb8;
	[tilespmem:$0x1E400] =	vst v63  }
0x40: {  	_ = 	snop  }
0x41: {  	[tilespmem:s30], [sflag:$0x1] =	stream.indirect_vreg.gather [hbm4b:s7+s2], $0x80, v3, vm0, $0xb8;
	[tilespmem:$0x1E400] =	vst v63  }
0x42: {  	v3 =	vld [tilespmem:$0x10];
	_ =	sdelay $0x4  }
0x43: {  	v61 =	vshll.u32 v3, $0x3  }
0x44: {  	v3 =	vand.u32 $0x7, v3;
	v4 =	vand.u32 $0xFFFFFFC0, v61  }
0x45: {  	v3 =	vor.u32 v3, v4  }
0x46: {  	v4 =	vperm.xlane v3, v0;
	_ =	sdelay $0x1  }
0x47: {  	v4 =	vadd.s32 v1, v4;
	_ =	sdelay $0x4  }
0x48: {  	[tilespmem:s1], [sflag:$0x1] =	stream.indirect_vreg.gather [hbm4b:s3+s2], $0x80, v4, vm0, $0xb8;
	[tilespmem:$0x1E400] =	vst v63  }
0x49: {  	v3 =	vperm.xlane v3, v2  }
0x4a: {  	[tilespmem:s4], [sflag:$0x1] =	stream.indirect_vreg.gather [hbm4b:s5+s2], $0x80, v4, vm0, $0xb8;
	[tilespmem:$0x1E400] =	vst v63  }
0x4b: {  	v3 =	vadd.s32 v1, v3  }
0x4c: {  	[tilespmem:s8], [sflag:$0x1] =	stream.indirect_vreg.gather [hbm4b:s6+s2], $0x80, v4, vm0, $0xb8;
	[tilespmem:$0x1E400] =	vst v63  }
0x4d: {  	_ = 	snop  }
0x4e: {  	[tilespmem:s9], [sflag:$0x1] =	stream.indirect_vreg.gather [hbm4b:s7+s2], $0x80, v4, vm0, $0xb8;
	[tilespmem:$0x1E400] =	vst v63  }
0x4f: {  	_ = 	snop  }
0x50: {  	[tilespmem:s12], [sflag:$0x1] =	stream.indirect_vreg.gather [hbm4b:s3+s2], $0x80, v3, vm0, $0xb8;
	[tilespmem:$0x1E400] =	vst v63  }
0x51: {  	_ = 	snop  }
0x52: {  	[tilespmem:s13], [sflag:$0x1] =	stream.indirect_vreg.gather [hbm4b:s5+s2], $0x80, v3, vm0, $0xb8;
	[tilespmem:$0x1E400] =	vst v63  }
0x53: {  	_ = 	snop  }
0x54: {  	[tilespmem:s0], [sflag:$0x1] =	stream.indirect_vreg.gather [hbm4b:s6+s2], $0x80, v3, vm0, $0xb8;
	[tilespmem:$0x1E400] =	vst v63  }
0x55: {  	_ = 	snop  }
0x56: {  	[tilespmem:s14], [sflag:$0x1] =	stream.indirect_vreg.gather [hbm4b:s7+s2], $0x80, v3, vm0, $0xb8;
	[tilespmem:$0x1E400] =	vst v63  }
0x57: {  	v3 =	vld [tilespmem:$0x20];
	_ =	sdelay $0x4  }
0x58: {  	v62 =	vshll.u32 v3, $0x3  }
0x59: {  	v3 =	vand.u32 $0x7, v3;
	v4 =	vand.u32 $0xFFFFFFC0, v62  }
0x5a: {  	v3 =	vor.u32 v3, v4  }
0x5b: {  	v4 =	vperm.xlane v3, v0;
	_ =	sdelay $0x1  }
0x5c: {  	v4 =	vadd.s32 v1, v4;
	_ =	sdelay $0x4  }
0x5d: {  	[tilespmem:s15], [sflag:$0x1] =	stream.indirect_vreg.gather [hbm4b:s3+s2], $0x80, v4, vm0, $0xb8;
	[tilespmem:$0x1E400] =	vst v63  }
0x5e: {  	v3 =	vperm.xlane v3, v2  }
0x5f: {  	[tilespmem:s16], [sflag:$0x1] =	stream.indirect_vreg.gather [hbm4b:s5+s2], $0x80, v4, vm0, $0xb8;
	[tilespmem:$0x1E400] =	vst v63  }
0x60: {  	v3 =	vadd.s32 v1, v3  }
0x61: {  	[tilespmem:s17], [sflag:$0x1] =	stream.indirect_vreg.gather [hbm4b:s6+s2], $0x80, v4, vm0, $0xb8;
	[tilespmem:$0x1E400] =	vst v63  }
0x62: {  	_ = 	snop  }
0x63: {  	[tilespmem:s18], [sflag:$0x1] =	stream.indirect_vreg.gather [hbm4b:s7+s2], $0x80, v4, vm0, $0xb8;
	[tilespmem:$0x1E400] =	vst v63  }
0x64: {  	_ = 	snop  }
0x65: {  	[tilespmem:s31], [sflag:$0x1] =	stream.indirect_vreg.gather [hbm4b:s3+s2], $0x80, v3, vm0, $0xb8;
	[tilespmem:$0x1E400] =	vst v63  }
0x66: {  	s18 =	simm.s32 $0xAC00  }
0x67: {  	[tilespmem:s18], [sflag:$0x1] =	stream.indirect_vreg.gather [hbm4b:s5+s2], $0x80, v3, vm0, $0xb8;
	[tilespmem:$0x1E400] =	vst v63  }
0x68: {  	s22 =	simm.s32 $0xB400  }
0x69: {  	[tilespmem:s22], [sflag:$0x1] =	stream.indirect_vreg.gather [hbm4b:s6+s2], $0x80, v3, vm0, $0xb8;
	[tilespmem:$0x1E400] =	vst v63  }
0x6a: {  	s23 =	simm.s32 $0xBC00  }
0x6b: {  	[tilespmem:s23], [sflag:$0x1] =	stream.indirect_vreg.gather [hbm4b:s7+s2], $0x80, v3, vm0, $0xb8;
	[tilespmem:$0x1E400] =	vst v63  }
0x6c: {  	v3 =	vld [tilespmem:$0x30];
	_ =	sdelay $0x4  }
0x6d: {  	v63 =	vshll.u32 v3, $0x3  }
0x6e: {  	v3 =	vand.u32 $0x7, v3;
	v4 =	vand.u32 $0xFFFFFFC0, v63  }
0x6f: {  	v3 =	vor.u32 v3, v4  }
0x70: {  	v4 =	vperm.xlane v3, v0;
	_ =	sdelay $0x1  }
0x71: {  	v4 =	vadd.s32 v1, v4;
	_ =	sdelay $0x3  }
0x72: {  	s24 =	simm.s32 $0xC400  }
0x73: {  	[tilespmem:s24], [sflag:$0x1] =	stream.indirect_vreg.gather [hbm4b:s3+s2], $0x80, v4, vm0, $0xb8;
	[tilespmem:$0x1E400] =	vst v63  }
0x74: {  	s25 =	simm.s32 $0xCC00;
	s26 =	simm.s32 $0xD400;
	s28 =	simm.s32 $0x1C00;
	v3 =	vperm.xlane v3, v2  }
0x75: {  	[tilespmem:s25], [sflag:$0x1] =	stream.indirect_vreg.gather [hbm4b:s5+s2], $0x80, v4, vm0, $0xb8;
	[tilespmem:$0x1E400] =	vst v63  }
0x76: {  	s29 =	simm.s32 $0xA400;
	s30 =	simm.s32 $0xDC00;
	s1 =	simm.s32 $0x9C00;
	v3 =	vadd.s32 v1, v3  }
0x77: {  	[tilespmem:s26], [sflag:$0x1] =	stream.indirect_vreg.gather [hbm4b:s6+s2], $0x80, v4, vm0, $0xb8;
	[tilespmem:$0x1E400] =	vst v63  }
0x78: {  	s4 =	simm.s32 $0xF400;
	s8 =	simm.s32 $0xFC00;
	s9 =	simm.s32 $0x5C00  }
0x79: {  	[tilespmem:s30], [sflag:$0x1] =	stream.indirect_vreg.gather [hbm4b:s7+s2], $0x80, v4, vm0, $0xb8;
	[tilespmem:$0x1E400] =	vst v63  }
0x7a: {  	s12 =	simm.s32 $0x6400;
	s13 =	simm.s32 $0x6C00;
	s31 =	simm.s32 $0xE400  }
0x7b: {  	[tilespmem:s31], [sflag:$0x1] =	stream.indirect_vreg.gather [hbm4b:s3+s2], $0x80, v3, vm0, $0xb8;
	[tilespmem:$0x1E400] =	vst v63  }
0x7c: {  	s0 =	simm.s32 $0x3C00;
	s14 =	simm.s32 $0x7400;
	s26 =	simm.s32 $0xEC00  }
0x7d: {  	[tilespmem:s26], [sflag:$0x1] =	stream.indirect_vreg.gather [hbm4b:s5+s2], $0x80, v3, vm0, $0xb8;
	[tilespmem:$0x1E400] =	vst v63  }
0x7e: {  	s15 =	simm.s32 $0x7C00;
	s16 =	simm.s32 $0x8400;
	s17 =	simm.s32 $0x8C00  }
0x7f: {  	[tilespmem:s4], [sflag:$0x1] =	stream.indirect_vreg.gather [hbm4b:s6+s2], $0x80, v3, vm0, $0xb8;
	[tilespmem:$0x1E400] =	vst v63  }
0x80: {  	s18 =	simm.s32 $0x9400;
	s22 =	simm.s32 $0x60;
	s23 =	simm.s32 $0x0  }
0x81: {  	[tilespmem:s8], [sflag:$0x1] =	stream.indirect_vreg.gather [hbm4b:s7+s2], $0x80, v3, vm0, $0xb8;
	[tilespmem:$0x1E400] =	vst v63  }
.LBB2_2:
0x82: {  	v3 =	vld [tilespmem:s22+$0xFFFFFFE0];
	_ =	sdelay $0x4  }
0x83: {  	v4 =	vshll.u32 v3, $0x3  }
0x84: {  	v3 =	vand.u32 $0x7, v3;
	v4 =	vand.u32 $0xFFFFFFC0, v4  }
0x85: {  	v3 =	vor.u32 v3, v4  }
0x86: {  	v4 =	vperm.xlane v3, v0;
	_ =	sdelay $0x1  }
0x87: {  	v4 =	vadd.s32 v1, v4;
	_ =	sdelay $0x4  }
0x88: {  	[tilespmem:s19], [sflag:$0x2] =	stream.indirect_vreg.gather [hbm4b:s3+s2], $0x80, v4, vm0, $0xb8;
	[tilespmem:$0x1E400] =	vst v63  }
0x89: {  	s24 =	rddreg [dreg:$0x4];
	v3 =	vperm.xlane v3, v2  }
0x8a: {  	[tilespmem:s24], [sflag:$0x2] =	stream.indirect_vreg.gather [hbm4b:s5+s2], $0x80, v4, vm0, $0xb8;
	[tilespmem:$0x1E400] =	vst v63  }
0x8b: {  	s25 =	rddreg [dreg:$0x5];
	v3 =	vadd.s32 v1, v3  }
0x8c: {  	[tilespmem:s25], [sflag:$0x2] =	stream.indirect_vreg.gather [hbm4b:s6+s2], $0x80, v4, vm0, $0xb8;
	[tilespmem:$0x1E400] =	vst v63  }
0x8d: {  	s30 =	rddreg [dreg:$0x6]  }
0x8e: {  	[tilespmem:s30], [sflag:$0x2] =	stream.indirect_vreg.gather [hbm4b:s7+s2], $0x80, v4, vm0, $0xb8;
	[tilespmem:$0x1E400] =	vst v63  }
0x8f: {  	s25 =	rddreg [dreg:$0x7]  }
0x90: {  	[tilespmem:s25], [sflag:$0x2] =	stream.indirect_vreg.gather [hbm4b:s3+s2], $0x80, v3, vm0, $0xb8;
	[tilespmem:$0x1E400] =	vst v63  }
0x91: {  	s30 =	rddreg [dreg:$0x8]  }
0x92: {  	[tilespmem:s30], [sflag:$0x2] =	stream.indirect_vreg.gather [hbm4b:s5+s2], $0x80, v3, vm0, $0xb8;
	[tilespmem:$0x1E400] =	vst v63  }
0x93: {  	s25 =	rddreg [dreg:$0x9]  }
0x94: {  	[tilespmem:s25], [sflag:$0x2] =	stream.indirect_vreg.gather [hbm4b:s6+s2], $0x80, v3, vm0, $0xb8;
	[tilespmem:$0x1E400] =	vst v63  }
0x95: {  	s30 =	rddreg [dreg:$0xa]  }
0x96: {  	[tilespmem:s30], [sflag:$0x2] =	stream.indirect_vreg.gather [hbm4b:s7+s2], $0x80, v3, vm0, $0xb8;
	[tilespmem:$0x1E400] =	vst v63  }
0x97: {  	v3 =	vld [tilespmem:s22+$0xFFFFFFF0];
	_ =	sdelay $0x4  }
0x98: {  	v57 =	vshll.u32 v3, $0x3  }
0x99: {  	v3 =	vand.u32 $0x7, v3;
	v4 =	vand.u32 $0xFFFFFFC0, v57  }
0x9a: {  	v3 =	vor.u32 v3, v4  }
0x9b: {  	v4 =	vperm.xlane v3, v0;
	_ =	sdelay $0x1  }
0x9c: {  	v4 =	vadd.s32 v1, v4;
	_ =	sdelay $0x3  }
0x9d: {  	s25 =	rddreg [dreg:$0xb]  }
0x9e: {  	[tilespmem:s25], [sflag:$0x2] =	stream.indirect_vreg.gather [hbm4b:s3+s2], $0x80, v4, vm0, $0xb8;
	[tilespmem:$0x1E400] =	vst v63  }
0x9f: {  	s30 =	rddreg [dreg:$0xc];
	v3 =	vperm.xlane v3, v2  }
0xa0: {  	[tilespmem:s30], [sflag:$0x2] =	stream.indirect_vreg.gather [hbm4b:s5+s2], $0x80, v4, vm0, $0xb8;
	[tilespmem:$0x1E400] =	vst v63  }
0xa1: {  	s24 =	rddreg [dreg:$0xd];
	v3 =	vadd.s32 v1, v3  }
0xa2: {  	[tilespmem:s24], [sflag:$0x2] =	stream.indirect_vreg.gather [hbm4b:s6+s2], $0x80, v4, vm0, $0xb8;
	[tilespmem:$0x1E400] =	vst v63  }
0xa3: {  	s30 =	rddreg [dreg:$0xe]  }
0xa4: {  	[tilespmem:s30], [sflag:$0x2] =	stream.indirect_vreg.gather [hbm4b:s7+s2], $0x80, v4, vm0, $0xb8;
	[tilespmem:$0x1E400] =	vst v63  }
0xa5: {  	s24 =	rddreg [dreg:$0xf]  }
0xa6: {  	[tilespmem:s24], [sflag:$0x2] =	stream.indirect_vreg.gather [hbm4b:s3+s2], $0x80, v3, vm0, $0xb8;
	[tilespmem:$0x1E400] =	vst v63  }
0xa7: {  	s30 =	rddreg [dreg:$0x10]  }
0xa8: {  	[tilespmem:s30], [sflag:$0x2] =	stream.indirect_vreg.gather [hbm4b:s5+s2], $0x80, v3, vm0, $0xb8;
	[tilespmem:$0x1E400] =	vst v63  }
0xa9: {  	s24 =	rddreg [dreg:$0x11]  }
0xaa: {  	[tilespmem:s24], [sflag:$0x2] =	stream.indirect_vreg.gather [hbm4b:s6+s2], $0x80, v3, vm0, $0xb8;
	[tilespmem:$0x1E400] =	vst v63  }
0xab: {  	s30 =	rddreg [dreg:$0x12]  }
0xac: {  	[tilespmem:s30], [sflag:$0x2] =	stream.indirect_vreg.gather [hbm4b:s7+s2], $0x80, v3, vm0, $0xb8;
	[tilespmem:$0x1E400] =	vst v63  }
0xad: {  	v3 =	vld [tilespmem:s22+$0x0];
	_ =	sdelay $0x4  }
0xae: {  	v58 =	vshll.u32 v3, $0x3  }
0xaf: {  	v3 =	vand.u32 $0x7, v3;
	v4 =	vand.u32 $0xFFFFFFC0, v58  }
0xb0: {  	v3 =	vor.u32 v3, v4  }
0xb1: {  	v4 =	vperm.xlane v3, v0;
	_ =	sdelay $0x1  }
0xb2: {  	v4 =	vadd.s32 v1, v4;
	_ =	sdelay $0x3  }
0xb3: {  	s25 =	rddreg [dreg:$0x13]  }
0xb4: {  	[tilespmem:s25], [sflag:$0x2] =	stream.indirect_vreg.gather [hbm4b:s3+s2], $0x80, v4, vm0, $0xb8;
	[tilespmem:$0x1E400] =	vst v63  }
0xb5: {  	s30 =	rddreg [dreg:$0x14];
	v3 =	vperm.xlane v3, v2  }
0xb6: {  	[tilespmem:s30], [sflag:$0x2] =	stream.indirect_vreg.gather [hbm4b:s5+s2], $0x80, v4, vm0, $0xb8;
	[tilespmem:$0x1E400] =	vst v63  }
0xb7: {  	s24 =	rddreg [dreg:$0x15];
	v3 =	vadd.s32 v1, v3  }
0xb8: {  	[tilespmem:s24], [sflag:$0x2] =	stream.indirect_vreg.gather [hbm4b:s6+s2], $0x80, v4, vm0, $0xb8;
	[tilespmem:$0x1E400] =	vst v63  }
0xb9: {  	s30 =	rddreg [dreg:$0x16]  }
0xba: {  	[tilespmem:s30], [sflag:$0x2] =	stream.indirect_vreg.gather [hbm4b:s7+s2], $0x80, v4, vm0, $0xb8;
	[tilespmem:$0x1E400] =	vst v63  }
0xbb: {  	s24 =	rddreg [dreg:$0x17]  }
0xbc: {  	[tilespmem:s24], [sflag:$0x2] =	stream.indirect_vreg.gather [hbm4b:s3+s2], $0x80, v3, vm0, $0xb8;
	[tilespmem:$0x1E400] =	vst v63  }
0xbd: {  	s30 =	rddreg [dreg:$0x18]  }
0xbe: {  	[tilespmem:s30], [sflag:$0x2] =	stream.indirect_vreg.gather [hbm4b:s5+s2], $0x80, v3, vm0, $0xb8;
	[tilespmem:$0x1E400] =	vst v63  }
0xbf: {  	s24 =	rddreg [dreg:$0x19]  }
0xc0: {  	[tilespmem:s24], [sflag:$0x2] =	stream.indirect_vreg.gather [hbm4b:s6+s2], $0x80, v3, vm0, $0xb8;
	[tilespmem:$0x1E400] =	vst v63  }
0xc1: {  	s30 =	rddreg [dreg:$0x1a]  }
0xc2: {  	[tilespmem:s30], [sflag:$0x2] =	stream.indirect_vreg.gather [hbm4b:s7+s2], $0x80, v3, vm0, $0xb8;
	[tilespmem:$0x1E400] =	vst v63  }
0xc3: {  	v3 =	vld.msk [tilespmem:s22+$0x10], $0xff;
	_ =	sdelay $0x4  }
0xc4: {  	v59 =	vshll.u32 v3, $0x3  }
0xc5: {  	v3 =	vand.u32 $0x7, v3;
	v4 =	vand.u32 $0xFFFFFFC0, v59  }
0xc6: {  	v3 =	vor.u32 v3, v4  }
0xc7: {  	v3 =	vperm.xlane v3, v0;
	_ =	sdelay $0x1  }
0xc8: {  	v3 =	vadd.s32 v1, v3;
	_ =	sdelay $0x3  }
0xc9: {  	s25 =	rddreg [dreg:$0x1b]  }
0xca: {  	[tilespmem:s25], [sflag:$0x2] =	stream.indirect_vreg.gather [hbm4b:s3+s2], $0x80, v3, vm0, $0xb8;
	[tilespmem:$0x1E400] =	vst v63  }
0xcb: {  	s30 =	rddreg [dreg:$0x1c]  }
0xcc: {  	[tilespmem:s30], [sflag:$0x2] =	stream.indirect_vreg.gather [hbm4b:s5+s2], $0x80, v3, vm0, $0xb8;
	[tilespmem:$0x1E400] =	vst v63  }
0xcd: {  	s24 =	rddreg [dreg:$0x1d]  }
0xce: {  	[tilespmem:s24], [sflag:$0x2] =	stream.indirect_vreg.gather [hbm4b:s6+s2], $0x80, v3, vm0, $0xb8;
	[tilespmem:$0x1E400] =	vst v63  }
0xcf: {  	s30 =	rddreg [dreg:$0x1e]  }
0xd0: {  	[tilespmem:s30], [sflag:$0x2] =	stream.indirect_vreg.gather [hbm4b:s7+s2], $0x80, v3, vm0, $0xb8;
	[tilespmem:$0x1E400] =	vst v63  }
0xd1: {  	_ =	swait.ge [sflag:s20], $0x10000  }
0xd2: {  	s30 =	rddreg [dreg:$0x3];
	[sflag:s20] =	ssyncset.done $0x0  }
0xd3: {  	[sflag:s20] =	ssyncadd.s32 $0xFFFF0000;
	s24 =	sadd.s32 s23, s30  }
0xd4: {  	[hbm4b:s24+s2] =	stream.linear.scatter [tilespmem:s11], [sflag:$0x3], $0x10000, $0x38;
	[tilespmem:$0x1E400] =	vst v63  }
0xd5: {  	_ =	swait.ge [sflag:s10], $0x10000  }
0xd6: {  	[sflag:s10] =	ssyncset.done $0x0  }
0xd7: {  	[sflag:s10] =	ssyncadd.s32 $0xFFFF0000  }
0xd8: {  	v3 =	vld [tilespmem:s22+$0x18];
	_ =	sdelay $0x4  }
0xd9: {  	v60 =	vshll.u32 v3, $0x3  }
0xda: {  	v3 =	vand.u32 $0x7, v3;
	v4 =	vand.u32 $0xFFFFFFC0, v60  }
0xdb: {  	v3 =	vor.u32 v3, v4  }
0xdc: {  	v4 =	vperm.xlane v3, v0;
	_ =	sdelay $0x1  }
0xdd: {  	v4 =	vadd.s32 v1, v4;
	_ =	sdelay $0x4  }
0xde: {  	[tilespmem:s11], [sflag:$0x1] =	stream.indirect_vreg.gather [hbm4b:s3+s2], $0x80, v4, vm0, $0xb8;
	[tilespmem:$0x1E400] =	vst v63  }
0xdf: {  	s25 =	simm.s32 $0xC00;
	v3 =	vperm.xlane v3, v2  }
0xe0: {  	[tilespmem:s25], [sflag:$0x1] =	stream.indirect_vreg.gather [hbm4b:s5+s2], $0x80, v4, vm0, $0xb8;
	[tilespmem:$0x1E400] =	vst v63  }
0xe1: {  	s30 =	simm.s32 $0x1400;
	v3 =	vadd.s32 v1, v3  }
0xe2: {  	[tilespmem:s30], [sflag:$0x1] =	stream.indirect_vreg.gather [hbm4b:s6+s2], $0x80, v4, vm0, $0xb8;
	[tilespmem:$0x1E400] =	vst v63  }
0xe3: {  	_ = 	snop  }
0xe4: {  	[tilespmem:s28], [sflag:$0x1] =	stream.indirect_vreg.gather [hbm4b:s7+s2], $0x80, v4, vm0, $0xb8;
	[tilespmem:$0x1E400] =	vst v63  }
0xe5: {  	s30 =	simm.s32 $0x2400  }
0xe6: {  	[tilespmem:s30], [sflag:$0x1] =	stream.indirect_vreg.gather [hbm4b:s3+s2], $0x80, v3, vm0, $0xb8;
	[tilespmem:$0x1E400] =	vst v63  }
0xe7: {  	s30 =	simm.s32 $0x2C00  }
0xe8: {  	[tilespmem:s30], [sflag:$0x1] =	stream.indirect_vreg.gather [hbm4b:s5+s2], $0x80, v3, vm0, $0xb8;
	[tilespmem:$0x1E400] =	vst v63  }
0xe9: {  	s30 =	simm.s32 $0x3400  }
0xea: {  	[tilespmem:s30], [sflag:$0x1] =	stream.indirect_vreg.gather [hbm4b:s6+s2], $0x80, v3, vm0, $0xb8;
	[tilespmem:$0x1E400] =	vst v63  }
0xeb: {  	_ = 	snop  }
0xec: {  	[tilespmem:s0], [sflag:$0x1] =	stream.indirect_vreg.gather [hbm4b:s7+s2], $0x80, v3, vm0, $0xb8;
	[tilespmem:$0x1E400] =	vst v63  }
0xed: {  	v3 =	vld [tilespmem:s22+$0x28];
	_ =	sdelay $0x4  }
0xee: {  	v61 =	vshll.u32 v3, $0x3  }
0xef: {  	v3 =	vand.u32 $0x7, v3;
	v4 =	vand.u32 $0xFFFFFFC0, v61  }
0xf0: {  	v3 =	vor.u32 v3, v4  }
0xf1: {  	v4 =	vperm.xlane v3, v0;
	_ =	sdelay $0x1  }
0xf2: {  	v4 =	vadd.s32 v1, v4;
	_ =	sdelay $0x3  }
0xf3: {  	s30 =	simm.s32 $0x4400  }
0xf4: {  	[tilespmem:s30], [sflag:$0x1] =	stream.indirect_vreg.gather [hbm4b:s3+s2], $0x80, v4, vm0, $0xb8;
	[tilespmem:$0x1E400] =	vst v63  }
0xf5: {  	v3 =	vperm.xlane v3, v2;
	s30 =	simm.s32 $0x4C00  }
0xf6: {  	[tilespmem:s30], [sflag:$0x1] =	stream.indirect_vreg.gather [hbm4b:s5+s2], $0x80, v4, vm0, $0xb8;
	[tilespmem:$0x1E400] =	vst v63  }
0xf7: {  	v3 =	vadd.s32 v1, v3;
	s30 =	simm.s32 $0x5400  }
0xf8: {  	[tilespmem:s30], [sflag:$0x1] =	stream.indirect_vreg.gather [hbm4b:s6+s2], $0x80, v4, vm0, $0xb8;
	[tilespmem:$0x1E400] =	vst v63  }
0xf9: {  	_ = 	snop  }
0xfa: {  	[tilespmem:s9], [sflag:$0x1] =	stream.indirect_vreg.gather [hbm4b:s7+s2], $0x80, v4, vm0, $0xb8;
	[tilespmem:$0x1E400] =	vst v63  }
0xfb: {  	_ = 	snop  }
0xfc: {  	[tilespmem:s12], [sflag:$0x1] =	stream.indirect_vreg.gather [hbm4b:s3+s2], $0x80, v3, vm0, $0xb8;
	[tilespmem:$0x1E400] =	vst v63  }
0xfd: {  	_ = 	snop  }
0xfe: {  	[tilespmem:s13], [sflag:$0x1] =	stream.indirect_vreg.gather [hbm4b:s5+s2], $0x80, v3, vm0, $0xb8;
	[tilespmem:$0x1E400] =	vst v63  }
0xff: {  	_ = 	snop  }
0x100: {  	[tilespmem:s14], [sflag:$0x1] =	stream.indirect_vreg.gather [hbm4b:s6+s2], $0x80, v3, vm0, $0xb8;
	[tilespmem:$0x1E400] =	vst v63  }
0x101: {  	_ = 	snop  }
0x102: {  	[tilespmem:s15], [sflag:$0x1] =	stream.indirect_vreg.gather [hbm4b:s7+s2], $0x80, v3, vm0, $0xb8;
	[tilespmem:$0x1E400] =	vst v63  }
0x103: {  	v3 =	vld [tilespmem:s22+$0x38];
	_ =	sdelay $0x4  }
0x104: {  	v62 =	vshll.u32 v3, $0x3  }
0x105: {  	v3 =	vand.u32 $0x7, v3;
	v4 =	vand.u32 $0xFFFFFFC0, v62  }
0x106: {  	v3 =	vor.u32 v3, v4  }
0x107: {  	v4 =	vperm.xlane v3, v0;
	_ =	sdelay $0x1  }
0x108: {  	v4 =	vadd.s32 v1, v4;
	_ =	sdelay $0x4  }
0x109: {  	[tilespmem:s16], [sflag:$0x1] =	stream.indirect_vreg.gather [hbm4b:s3+s2], $0x80, v4, vm0, $0xb8;
	[tilespmem:$0x1E400] =	vst v63  }
0x10a: {  	v3 =	vperm.xlane v3, v2  }
0x10b: {  	[tilespmem:s17], [sflag:$0x1] =	stream.indirect_vreg.gather [hbm4b:s5+s2], $0x80, v4, vm0, $0xb8;
	[tilespmem:$0x1E400] =	vst v63  }
0x10c: {  	v3 =	vadd.s32 v1, v3  }
0x10d: {  	[tilespmem:s18], [sflag:$0x1] =	stream.indirect_vreg.gather [hbm4b:s6+s2], $0x80, v4, vm0, $0xb8;
	[tilespmem:$0x1E400] =	vst v63  }
0x10e: {  	_ = 	snop  }
0x10f: {  	[tilespmem:s1], [sflag:$0x1] =	stream.indirect_vreg.gather [hbm4b:s7+s2], $0x80, v4, vm0, $0xb8;
	[tilespmem:$0x1E400] =	vst v63  }
0x110: {  	_ = 	snop  }
0x111: {  	[tilespmem:s29], [sflag:$0x1] =	stream.indirect_vreg.gather [hbm4b:s3+s2], $0x80, v3, vm0, $0xb8;
	[tilespmem:$0x1E400] =	vst v63  }
0x112: {  	s30 =	simm.s32 $0xAC00  }
0x113: {  	[tilespmem:s30], [sflag:$0x1] =	stream.indirect_vreg.gather [hbm4b:s5+s2], $0x80, v3, vm0, $0xb8;
	[tilespmem:$0x1E400] =	vst v63  }
0x114: {  	s30 =	simm.s32 $0xB400  }
0x115: {  	[tilespmem:s30], [sflag:$0x1] =	stream.indirect_vreg.gather [hbm4b:s6+s2], $0x80, v3, vm0, $0xb8;
	[tilespmem:$0x1E400] =	vst v63  }
0x116: {  	s30 =	simm.s32 $0xBC00  }
0x117: {  	[tilespmem:s30], [sflag:$0x1] =	stream.indirect_vreg.gather [hbm4b:s7+s2], $0x80, v3, vm0, $0xb8;
	[tilespmem:$0x1E400] =	vst v63  }
0x118: {  	v3 =	vld [tilespmem:s22+$0x48];
	_ =	sdelay $0x4  }
0x119: {  	v63 =	vshll.u32 v3, $0x3  }
0x11a: {  	v3 =	vand.u32 $0x7, v3;
	v4 =	vand.u32 $0xFFFFFFC0, v63  }
0x11b: {  	v3 =	vor.u32 v3, v4  }
0x11c: {  	v4 =	vperm.xlane v3, v0;
	_ =	sdelay $0x1  }
0x11d: {  	v4 =	vadd.s32 v1, v4;
	_ =	sdelay $0x3  }
0x11e: {  	s30 =	simm.s32 $0xC400  }
0x11f: {  	[tilespmem:s30], [sflag:$0x1] =	stream.indirect_vreg.gather [hbm4b:s3+s2], $0x80, v4, vm0, $0xb8;
	[tilespmem:$0x1E400] =	vst v63  }
0x120: {  	v3 =	vperm.xlane v3, v2;
	s30 =	simm.s32 $0xCC00  }
0x121: {  	[tilespmem:s30], [sflag:$0x1] =	stream.indirect_vreg.gather [hbm4b:s5+s2], $0x80, v4, vm0, $0xb8;
	[tilespmem:$0x1E400] =	vst v63  }
0x122: {  	v3 =	vadd.s32 v1, v3;
	s30 =	simm.s32 $0xD400  }
0x123: {  	[tilespmem:s30], [sflag:$0x1] =	stream.indirect_vreg.gather [hbm4b:s6+s2], $0x80, v4, vm0, $0xb8;
	[tilespmem:$0x1E400] =	vst v63  }
0x124: {  	s30 =	simm.s32 $0xDC00  }
0x125: {  	[tilespmem:s30], [sflag:$0x1] =	stream.indirect_vreg.gather [hbm4b:s7+s2], $0x80, v4, vm0, $0xb8;
	[tilespmem:$0x1E400] =	vst v63  }
0x126: {  	_ = 	snop  }
0x127: {  	[tilespmem:s31], [sflag:$0x1] =	stream.indirect_vreg.gather [hbm4b:s3+s2], $0x80, v3, vm0, $0xb8;
	[tilespmem:$0x1E400] =	vst v63  }
0x128: {  	_ = 	snop  }
0x129: {  	[tilespmem:s26], [sflag:$0x1] =	stream.indirect_vreg.gather [hbm4b:s5+s2], $0x80, v3, vm0, $0xb8;
	[tilespmem:$0x1E400] =	vst v63  }
0x12a: {  	_ = 	snop  }
0x12b: {  	[tilespmem:s4], [sflag:$0x1] =	stream.indirect_vreg.gather [hbm4b:s6+s2], $0x80, v3, vm0, $0xb8;
	[tilespmem:$0x1E400] =	vst v63  }
0x12c: {  	_ = 	snop  }
0x12d: {  	[tilespmem:s8], [sflag:$0x1] =	stream.indirect_vreg.gather [hbm4b:s7+s2], $0x80, v3, vm0, $0xb8;
	[tilespmem:$0x1E400] =	vst v63  }
0x12e: {  	_ =	swait.ge [sflag:s21], $0xE000  }
0x12f: {  	p0 =	sne.s32 s23, $0x1A400;
	[sflag:s21] =	ssyncset.done $0x0  }
.Ltmp0:
0x130: {  	s24 =	sadd.s32 $0x2000, s24;
	[sflag:s21] =	ssyncadd.s32 $0xFFFF2000;
	(pc) =	sbr.rel @p0 .LBB2_2-.Ltmp0, $4  }
0x131: {  	[hbm4b:s24+s2] =	stream.linear.scatter [tilespmem:s19], [sflag:$0x3], $0xE000, $0x38;
	[tilespmem:$0x1E400] =	vst v63  }
0x132: {  	_ =	swait.ge [sflag:s10], $0xE000  }
0x133: {  	[sflag:s10] =	ssyncset.done $0x0  }
0x134: {  	s23 =	sadd.s32 $0x3C00, s23;
	s22 =	sadd.s32 $0x78, s22;
	[sflag:s10] =	ssyncadd.s32 $0xFFFF2000  }
0x135: {  	_ =	swait.ge [sflag:s20], $0x10000  }
0x136: {  	s22 =	sld [smem:$0x7FB]  }
0x137: {  	[sflag:s20] =	ssyncset.done $0x0  }
0x138: {  	[sflag:s20] =	ssyncadd.s32 $0xFFFF0000  }
0x139: {  	[hbm4b:s22+s2] =	stream.linear.scatter [tilespmem:s11], [sflag:$0x3], $0x10000, $0x38;
	[tilespmem:$0x1E400] =	vst v63  }
0x13a: {  	_ =	swait.ge [sflag:s10], $0x10000  }
0x13b: {  	s0 =	sld [smem:$0x7FD]  }
0x13c: {  	s23 =	simm.s32 $0x1400;
	s26 =	sld [smem:$0x7FC]  }
0x13d: {  	s24 =	simm.s32 $0x1C00;
	s28 =	simm.s32 $0x2C00;
	s29 =	simm.s32 $0x3400  }
0x13e: {  	s30 =	simm.s32 $0x3C00;
	s1 =	simm.s32 $0x4400;
	s0 =	sadd.s32 $0x1, s0  }
0x13f: {  	s4 =	simm.s32 $0x4C00;
	s8 =	simm.s32 $0x5400;
	p0 =	sne.s32 s0, s26  }
.Ltmp1:
0x140: {  	s9 =	simm.s32 $0x5C00;
	s12 =	simm.s32 $0x6400;
	(pc) =	sbr.rel @p0 .LBB2_1-.Ltmp1, $4  }
0x141: {  	s13 =	simm.s32 $0x6C00;
	s14 =	simm.s32 $0x7C00;
	s15 =	simm.s32 $0x8400  }
0x142: {  	s16 =	simm.s32 $0x8C00;
	s17 =	simm.s32 $0x9400;
	[sflag:s10] =	ssyncset.done $0x0  }
0x143: {  	s18 =	simm.s32 $0x9C00;
	s31 =	simm.s32 $0xA400;
	[sflag:s10] =	ssyncadd.s32 $0xFFFF0000  }
0x144: {  	[smem:$0x7FD] =	sst s0;
	s26 =	simm.s32 $0x2400;
	s0 =	simm.s32 $0x7400  }
0x145: {  	_ =	sfence.sel $0x180000  }
0x146: {  	[bflag:$0x0] =	sbarrier.arrive $0xFFFF  }
0x147: {  	_ =	strace $0x90000047  }
0x148: {  	s0 =	stileid.u32;
	[bflag:$0x2] =	sbarrier.arrive $0xFFFF  }
0x149: {  	p0 =	sne.s32 s0, $0x0;
	s0 =	rddreg [dreg:$0x2]  }
0x14a: {  	s0 =	sadd.s32 @!p0 $0x100000, s0  }
0x14b: {  	[sflag:s0] =	ssyncadd.tile.s32 @!p0 $0x1;
	_ =	shalt  }
.Lfunc_end2:
_tile_overlayer_lowered:
.L_overlay_start_2:
0x14c: {  	(tag) =	ssettag $0x2  }
0x14d: {  	s0 =	rddreg [dreg:$0x0];
	s2 =	stileid.u32  }
0x14e: {  	s1 =	rddreg [dreg:$0x1];
	p0 =	sne.s32 s2, $0x0  }
0x14f: {  	s3 =	rddreg [dreg:$0x2];
	[bflag:$0x3] =	sbarrier.arrive $0xFFFF;
	s2 =	simm.s32 @!p0 $0x1C03  }
0x150: {  	[timem:s3], [sflag:s2] =	dma.local @!p0 [hbm:s0], s1  }
0x151: {  	s0 =	simm.s32 @!p0 $0x3  }
0x152: {  	_ =	swait.ge @!p0 [sflag:s0], s1  }
0x153: {  	s1 =	ssub.s32 @!p0 $0x0, s1;
	[sflag:s0] =	ssyncset.done @!p0 $0x0  }
0x154: {  	[sflag:s0] =	ssyncadd.s32 @!p0 s1  }
0x155: {  	[bflag:$0x3] =	sbarrier.arrive $0xFFFF  }
0x156: {  	_ =	shalt  }

</sc_bundles>
